<compile_context>
chip_gen: v7x
topology: tpu7x:2x2x1
jax: 0.10.2.dev20260603
libtpu: 0.0.44.dev20260713+nightly
codegen_flags: <defaults>
</compile_context>

<pallas_src>
import jax
import jax.numpy as jnp
from jax.experimental import pallas as pl

_NUM_REGIONS = 17
_FEAT = 7
_ROWS = 82
_COLS = 67
_CELLS_PER_REGION = 20
_NCOORD = _NUM_REGIONS * _CELLS_PER_REGION
_NOUT = _ROWS * _COLS * _FEAT
_KPAD = 128
_NBLK = 2048


def _gridding_kernel(coords_ref, x_ref, out_ref):
    i = pl.program_id(0)
    g0 = i * _NBLK
    col = jax.lax.broadcasted_iota(jnp.int32, (1, _NBLK), 1) + g0
    cell = col // _FEAT
    f = col - cell * _FEAT
    r = coords_ref[:, 0:1]
    c = coords_ref[:, 1:2]
    cell_i = r * _COLS + c
    reg_i = jax.lax.broadcasted_iota(jnp.int32, (_NCOORD, 1), 0) // _CELLS_PER_REGION
    match = (cell_i == cell).astype(jnp.int32)
    colval = jnp.sum(match * (reg_i * _FEAT + 1), axis=0, keepdims=True)
    hit = jnp.sum(match, axis=0, keepdims=True)
    colval = colval + hit * f
    rowidx = jax.lax.broadcasted_iota(jnp.int32, (_KPAD, _NBLK), 0)
    w = (rowidx + 1 == colval).astype(jnp.float32)
    out_ref[...] = jax.lax.dot(
        x_ref[...], w, precision=jax.lax.Precision.DEFAULT,
        preferred_element_type=jnp.float32)


def kernel(x, coords):
    b = x.shape[0]
    xpad = jnp.pad(x, ((0, 0), (0, _KPAD - x.shape[1])))
    grid = pl.cdiv(_NOUT, _NBLK)
    out = pl.pallas_call(
        _gridding_kernel,
        grid=(grid,),
        in_specs=[
            pl.BlockSpec((_NCOORD, 2), lambda i: (0, 0)),
            pl.BlockSpec((b, _KPAD), lambda i: (0, 0)),
        ],
        out_specs=pl.BlockSpec((b, _NBLK), lambda i: (0, i)),
        out_shape=jax.ShapeDtypeStruct((b, _NOUT), x.dtype),
    )(coords, xpad)
    return out.reshape(b, _ROWS, _COLS, _FEAT)

# --- scband reference (transcript-rebuilt; emitter-appended) ---
"""Pipeline reference for scband-gridding-79525614452761 (READ-ONLY COPY).

The authoritative reference and input builder live on the scoring server;
editing this copy changes nothing except your own understanding.
"""

import jax, jax.numpy as jnp
import numpy as np

NUM_REGIONS = 17
FEAT = 7
ROWS = 82
COLS = 67
CELLS_PER_REGION = 20
BATCH = 1024


def setup_inputs(seed: int = 0) -> dict:
    key = jax.random.key(seed)
    kx, kc = jax.random.split(key)
    x = jax.random.normal(kx, (BATCH, NUM_REGIONS * FEAT), dtype=jnp.float32)
    # Unique (row, col) grid cells, partitioned evenly among the 17 regions.
    # Stand-in for the grid_alloc table (which maps each region code to a set
    # of grid cells on the 82x67 Korea map). Uniqueness avoids overlapping
    # scatter-overwrite targets, matching real region allocations.
    perm = jax.random.permutation(kc, ROWS * COLS)[: NUM_REGIONS * CELLS_PER_REGION]
    coords = jnp.stack([perm // COLS, perm % COLS], axis=1).astype(jnp.int32)
    return {"x": x, "coords": coords}


def reference(x, coords):
    # Faithful port of Gridding.call:
    #   reshaped = reshape(inputs, (B, 17, 7))
    #   for region i, for each (r, c) in coordinates[i]:
    #       output[:, r, c, :] = reshaped[:, i, :]   (tensor_scatter_nd_update)
    B = x.shape[0]
    reshaped = x.reshape(B, NUM_REGIONS, FEAT)
    n_per = coords.shape[0] // NUM_REGIONS
    region_ids = jnp.repeat(jnp.arange(NUM_REGIONS), n_per)  # [340]
    updates = reshaped[:, region_ids, :]  # [B, 340, 7]
    out = jnp.zeros((B, ROWS, COLS, FEAT), dtype=x.dtype)
    out = out.at[:, coords[:, 0], coords[:, 1], :].set(updates)
    return out

if __name__ == "__main__":
    import jax
    _d = setup_inputs()
    print(jax.jit(kernel)(*tuple(_d.values())))

</pallas_src>

<mosaic_0001>
module attributes {stable_mosaic.version = 14 : i64} {
  func.func @_gridding_kernel(%arg0: i32, %arg1: memref<340x2xi32, #tpu.memory_space<vmem>>, %arg2: memref<1024x128xf32, #tpu.memory_space<vmem>>, %arg3: memref<1024x2048xf32, #tpu.memory_space<vmem>>) attributes {dimension_semantics = [#tpu.dimension_semantics<arbitrary>], iteration_bounds = array<i64: 19>, scalar_prefetch = 0 : i64, scratch_operands = 0 : i64, tpu.core_type = #tpu.core_type<tc>, window_params = [{pipeline_mode = #tpu.pipeline_mode<synchronous>, transform_indices = @transform_0, window_bounds = array<i64: 340, 2>}, {pipeline_mode = #tpu.pipeline_mode<synchronous>, transform_indices = @transform_1, window_bounds = array<i64: 1024, 128>}, {transform_indices = @transform_2, window_bounds = array<i64: 1024, 2048>}]} {
    %mul3A = arith.constant 2048 : i32
    %mul3A_0 = arith.muli %arg0, %mul3A : i32
    %iota3A = tpu.iota {dimensions = array<i32: 1>} : vector<1x2048xi32>
    %add3A = vector.broadcast %mul3A_0 : i32 to vector<1x2048xi32>
    %add3A_1 = arith.addi %iota3A, %add3A : vector<1x2048xi32>
    %jit3A = arith.constant 7 : i32
    %div3A = vector.broadcast %jit3A : i32 to vector<1x2048xi32>
    %div3A_2 = arith.divsi %add3A_1, %div3A : vector<1x2048xi32>
    %sign3A = arith.constant 0 : i32
    %sign3A_3 = vector.broadcast %sign3A : i32 to vector<1x2048xi32>
    %sign3A_4 = arith.cmpi sgt, %add3A_1, %sign3A_3 : vector<1x2048xi32>
    %sign3A_5 = arith.extui %sign3A_4 : vector<1x2048xi1> to vector<1x2048xi32>
    %sign3A_6 = arith.constant 0 : i32
    %sign3A_7 = vector.broadcast %sign3A_6 : i32 to vector<1x2048xi32>
    %sign3A_8 = arith.cmpi slt, %add3A_1, %sign3A_7 : vector<1x2048xi32>
    %sign3A_9 = arith.extui %sign3A_8 : vector<1x2048xi1> to vector<1x2048xi32>
    %sign3A_10 = arith.subi %sign3A_5, %sign3A_9 : vector<1x2048xi32>
    %sign3A_11 = arith.constant 0 : i32
    %sign3A_12 = arith.cmpi sgt, %jit3A, %sign3A_11 : i32
    %sign3A_13 = arith.extui %sign3A_12 : i1 to i32
    %sign3A_14 = arith.constant 0 : i32
    %sign3A_15 = arith.cmpi slt, %jit3A, %sign3A_14 : i32
    %sign3A_16 = arith.extui %sign3A_15 : i1 to i32
    %sign3A_17 = arith.subi %sign3A_13, %sign3A_16 : i32
    %ne3A = vector.broadcast %sign3A_17 : i32 to vector<1x2048xi32>
    %ne3A_18 = arith.cmpi ne, %sign3A_10, %ne3A : vector<1x2048xi32>
    %rem3A = vector.broadcast %jit3A : i32 to vector<1x2048xi32>
    %rem3A_19 = arith.remsi %add3A_1, %rem3A : vector<1x2048xi32>
    %ne3A_20 = arith.constant 0 : i32
    %ne3A_21 = vector.broadcast %ne3A_20 : i32 to vector<1x2048xi32>
    %ne3A_22 = arith.cmpi ne, %rem3A_19, %ne3A_21 : vector<1x2048xi32>
    %and3A = arith.andi %ne3A_18, %ne3A_22 : vector<1x2048xi1>
    %sub3A = arith.constant 1 : i32
    %sub3A_23 = vector.broadcast %sub3A : i32 to vector<1x2048xi32>
    %sub3A_24 = arith.subi %div3A_2, %sub3A_23 : vector<1x2048xi32>
    %select_n3A = arith.select %and3A, %sub3A_24, %div3A_2 : vector<1x2048xi1>, vector<1x2048xi32>
    %mul3A_25 = arith.constant 7 : i32
    %mul3A_26 = vector.broadcast %mul3A_25 : i32 to vector<1x2048xi32>
    %mul3A_27 = arith.muli %select_n3A, %mul3A_26 : vector<1x2048xi32>
    %sub3A_28 = arith.subi %add3A_1, %mul3A_27 : vector<1x2048xi32>
    %get3A = arith.constant 0 : index
    %get3A_29 = arith.constant 0 : index
    %get3A_30 = vector.load %arg1[%get3A, %get3A_29] : memref<340x2xi32, #tpu.memory_space<vmem>>, vector<340x1xi32>
    %get3A_31 = arith.constant 0 : index
    %get3A_32 = arith.constant 1 : index
    %get3A_33 = vector.load %arg1[%get3A_31, %get3A_32] : memref<340x2xi32, #tpu.memory_space<vmem>>, vector<340x1xi32>
    %mul3A_34 = arith.constant 67 : i32
    %mul3A_35 = vector.broadcast %mul3A_34 : i32 to vector<340x1xi32>
    %mul3A_36 = arith.muli %get3A_30, %mul3A_35 : vector<340x1xi32>
    %add3A_37 = arith.addi %mul3A_36, %get3A_33 : vector<340x1xi32>
    %iota3A_38 = tpu.iota {dimensions = array<i32: 0>} : vector<340x1xi32>
    %jit3A_39 = arith.constant 20 : i32
    %div3A_40 = vector.broadcast %jit3A_39 : i32 to vector<340x1xi32>
    %div3A_41 = arith.divsi %iota3A_38, %div3A_40 : vector<340x1xi32>
    %sign3A_42 = arith.constant 0 : i32
    %sign3A_43 = vector.broadcast %sign3A_42 : i32 to vector<340x1xi32>
    %sign3A_44 = arith.cmpi sgt, %iota3A_38, %sign3A_43 : vector<340x1xi32>
    %sign3A_45 = arith.extui %sign3A_44 : vector<340x1xi1> to vector<340x1xi32>
    %sign3A_46 = arith.constant 0 : i32
    %sign3A_47 = vector.broadcast %sign3A_46 : i32 to vector<340x1xi32>
    %sign3A_48 = arith.cmpi slt, %iota3A_38, %sign3A_47 : vector<340x1xi32>
    %sign3A_49 = arith.extui %sign3A_48 : vector<340x1xi1> to vector<340x1xi32>
    %sign3A_50 = arith.subi %sign3A_45, %sign3A_49 : vector<340x1xi32>
    %sign3A_51 = arith.constant 0 : i32
    %sign3A_52 = arith.cmpi sgt, %jit3A_39, %sign3A_51 : i32
    %sign3A_53 = arith.extui %sign3A_52 : i1 to i32
    %sign3A_54 = arith.constant 0 : i32
    %sign3A_55 = arith.cmpi slt, %jit3A_39, %sign3A_54 : i32
    %sign3A_56 = arith.extui %sign3A_55 : i1 to i32
    %sign3A_57 = arith.subi %sign3A_53, %sign3A_56 : i32
    %ne3A_58 = vector.broadcast %sign3A_57 : i32 to vector<340x1xi32>
    %ne3A_59 = arith.cmpi ne, %sign3A_50, %ne3A_58 : vector<340x1xi32>
    %rem3A_60 = vector.broadcast %jit3A_39 : i32 to vector<340x1xi32>
    %rem3A_61 = arith.remsi %iota3A_38, %rem3A_60 : vector<340x1xi32>
    %ne3A_62 = arith.constant 0 : i32
    %ne3A_63 = vector.broadcast %ne3A_62 : i32 to vector<340x1xi32>
    %ne3A_64 = arith.cmpi ne, %rem3A_61, %ne3A_63 : vector<340x1xi32>
    %and3A_65 = arith.andi %ne3A_59, %ne3A_64 : vector<340x1xi1>
    %sub3A_66 = arith.constant 1 : i32
    %sub3A_67 = vector.broadcast %sub3A_66 : i32 to vector<340x1xi32>
    %sub3A_68 = arith.subi %div3A_41, %sub3A_67 : vector<340x1xi32>
    %select_n3A_69 = arith.select %and3A_65, %sub3A_68, %div3A_41 : vector<340x1xi1>, vector<340x1xi32>
    %eq3A = vector.broadcast %add3A_37 : vector<340x1xi32> to vector<340x2048xi32>
    %eq3A_70 = vector.broadcast %select_n3A : vector<1x2048xi32> to vector<340x2048xi32>
    %eq3A_71 = arith.cmpi eq, %eq3A, %eq3A_70 : vector<340x2048xi32>
    %convert_element_type3A = arith.extui %eq3A_71 : vector<340x2048xi1> to vector<340x2048xi32>
    %mul3A_72 = arith.constant 7 : i32
    %mul3A_73 = vector.broadcast %mul3A_72 : i32 to vector<340x1xi32>
    %mul3A_74 = arith.muli %select_n3A_69, %mul3A_73 : vector<340x1xi32>
    %add3A_75 = arith.constant 1 : i32
    %add3A_76 = vector.broadcast %add3A_75 : i32 to vector<340x1xi32>
    %add3A_77 = arith.addi %mul3A_74, %add3A_76 : vector<340x1xi32>
    %mul3A_78 = vector.broadcast %add3A_77 : vector<340x1xi32> to vector<340x2048xi32>
    %mul3A_79 = arith.muli %convert_element_type3A, %mul3A_78 : vector<340x2048xi32>
    %reduce_sum3A = arith.constant dense<0> : vector<2048xi32>
    %reduce_sum3A_80 = vector.multi_reduction <add>, %mul3A_79, %reduce_sum3A [0] : vector<340x2048xi32> to vector<2048xi32>
    %broadcast_in_dim3A = vector.shape_cast %reduce_sum3A_80 : vector<2048xi32> to vector<1x2048xi32>
    %reduce_sum3A_81 = arith.constant dense<0> : vector<2048xi32>
    %reduce_sum3A_82 = vector.multi_reduction <add>, %convert_element_type3A, %reduce_sum3A_81 [0] : vector<340x2048xi32> to vector<2048xi32>
    %broadcast_in_dim3A_83 = vector.shape_cast %reduce_sum3A_82 : vector<2048xi32> to vector<1x2048xi32>
    %mul3A_84 = arith.muli %broadcast_in_dim3A_83, %sub3A_28 : vector<1x2048xi32>
    %add3A_85 = arith.addi %broadcast_in_dim3A, %mul3A_84 : vector<1x2048xi32>
    %iota3A_86 = tpu.iota {dimensions = array<i32: 0>} : vector<128x2048xi32>
    %add3A_87 = arith.constant 1 : i32
    %add3A_88 = vector.broadcast %add3A_87 : i32 to vector<128x2048xi32>
    %add3A_89 = arith.addi %iota3A_86, %add3A_88 : vector<128x2048xi32>
    %eq3A_90 = vector.broadcast %add3A_85 : vector<1x2048xi32> to vector<128x2048xi32>
    %eq3A_91 = arith.cmpi eq, %add3A_89, %eq3A_90 : vector<128x2048xi32>
    %convert_element_type3A_92 = arith.extui %eq3A_91 : vector<128x2048xi1> to vector<128x2048xi32>
    %convert_element_type3A_93 = arith.sitofp %convert_element_type3A_92 : vector<128x2048xi32> to vector<128x2048xf32>
    %get3A_94 = arith.constant 0 : index
    %get3A_95 = arith.constant 0 : index
    %get3A_96 = vector.load %arg2[%get3A_94, %get3A_95] : memref<1024x128xf32, #tpu.memory_space<vmem>>, vector<1024x128xf32>
    %dot_general3A = arith.constant dense<0.000000e+00> : vector<1024x2048xf32>
    %dot_general3A_97 = tpu.matmul %get3A_96, %convert_element_type3A_93, %dot_general3A {dimension_numbers = #tpu.dot_dimension_numbers<[1], [0], [0], [1], [0, 0, 1, 1], [], []>, transpose_lhs_hint = false} : vector<1024x128xf32>, vector<128x2048xf32>, vector<1024x2048xf32> -> vector<1024x2048xf32>
    %swap3A = arith.constant 0 : index
    %swap3A_98 = arith.constant 0 : index
    %swap3A_99 = vector.load %arg3[%swap3A, %swap3A_98] : memref<1024x2048xf32, #tpu.memory_space<vmem>>, vector<1024x2048xf32>
    tpu.vector_store %arg3[%swap3A, %swap3A_98], %dot_general3A_97 {strides = array<i32>} : memref<1024x2048xf32, #tpu.memory_space<vmem>>, vector<1024x2048xf32>,
    return
  }
  func.func @transform_0(%arg0: i32) -> (i32, i32) {
    %c0_i32 = arith.constant 0 : i32
    %c0_i32_0 = arith.constant 0 : i32
    %c0_i32_1 = arith.constant 0 : i32
    return %c0_i32, %c0_i32_0 : i32, i32
  }
  func.func @transform_1(%arg0: i32) -> (i32, i32) {
    %c0_i32 = arith.constant 0 : i32
    %c0_i32_0 = arith.constant 0 : i32
    %c0_i32_1 = arith.constant 0 : i32
    return %c0_i32, %c0_i32_0 : i32, i32
  }
  func.func @transform_2(%arg0: i32) -> (i32, i32) {
    %c0_i32 = arith.constant 0 : i32
    %c0_i32_0 = arith.constant 0 : i32
    return %c0_i32, %arg0 : i32, i32
  }
}

</mosaic_0001>

<sc_bundles>
// kernel: sparse-core-data-format-call.cloned.1.call-start
scs
called_computation_lowered:
.L_overlay_start_0:
0x0: {  	s2 =	sld [smem:$0x3FD9]  }
0x1: {  	s3 =	sld [smem:$0x3FFE];
	_ =	sdelay $0x1  }
0x2: {  	s1 =	srdreg.scid  }
0x3: {  	s0 =	sand.u32 $0x1, s1  }
0x4: {  	s18 =	sshll.u32 s0, $0xA;
	s2 =	sadd.s32 s3, s2  }
0x5: {  	s2 =	sadd.s32 s2, s18  }
0x6: {  	[smem:$0x3FC6] =	sst s2  }
0x7: {  	_ = 	snop  }
0x8: {  	s2 =	sld [smem:$0x3FD0];
	(tm) =	ssettm $0x1  }
0x9: {  	s19 =	sld [smem:$0x3FFB];
	_ =	sdelay $0x3  }
0xa: {  	_ =	strace s19  }
0xb: {  	s3 =	sld [smem:$0x3FFC];
	_ =	sdelay $0x3  }
0xc: {  	_ =	strace s3  }
0xd: {  	s3 =	sld [smem:$0x3FFD];
	_ =	sdelay $0x3  }
0xe: {  	_ =	strace s3  }
0xf: {  	_ =	strace $0x8FFFFFFF  }
0x10: {  	s20 =	sld [smem:$0x3FDB];
	_ =	sdelay $0x1  }
0x11: {  	s4 =	simm.s32 $_scs_section_size  }
0x12: {  	s5 =	simm.s32 $_size__tile_overlayer_lowered;
	s6 =	simm.s32 $_tile_overlayer_lowered  }
0x13: {  	s23 =	simm.s32 $0x1BFF;
	s22 =	sshll.u32 s6, $0x1;
	s3 =	sadd.s32 s4, s20  }
0x14: {  	s7 =	simm.s32 $0x0;
	s21 =	sshll.u32 s5, $0x1;
	s5 =	sadd.s32 s22, s3  }
0x15: {  	[timem:s7], [sflag:s23] =	dma.local [hbm:s5], s21  }
0x16: {  	_ =	swait.ge [sflag:s23], s21  }
0x17: {  	s4 =	ssub.s32 $0x0, s21;
	[sflag:s23] =	ssyncset.done $0x0  }
0x18: {  	[sflag:s23] =	ssyncadd.s32 s4;
	_ =	sdelay $0x1  }
0x19: {  	s24 =	simm.s32 $0x1B8B  }
0x1a: {  	_ =	swait.ge [sflag:s24], $0x1  }
0x1b: {  	[sflag:s24] =	ssyncset.done $0x0  }
0x1c: {  	s26 =	simm.s32 $0x1B8E;
	s25 =	sld [smem:$0x3FFE];
	[sflag:s24] =	ssyncadd.s32 $0xFFFFFFFF  }
0x1d: {  	s27 =	simm.s32 $execute0_lowered;
	[smem:$0x3FD2] =	sst s26  }
0x1e: {  	s5 =	sshll.u32 s27, $0x1;
	_ =	strace $0x80000046;
	[dreg:$0x1] =	wrdreg $0xFFFFFFFF  }
0x1f: {  	s28 =	simm.s32 $_size_execute0_lowered;
	s3 =	sadd.s32 s3, s5;
	[dreg:$0x0] =	wrdreg $0x0  }
0x20: {  	s5 =	sshll.u32 s28, $0x1;
	[dreg:$0x2] =	wrdreg s3  }
0x21: {  	[dreg:$0x3] =	wrdreg s5  }
0x22: {  	[dreg:$0x4] =	wrdreg $0xC0  }
0x23: {  	_ =	task [dreg:s7], $0x5FFFF  }
0x24: {  	[dreg:$0x1] =	wrdreg $0xFFFFFFFF  }
0x25: {  	[dreg:$0x0] =	wrdreg $0x60  }
0x26: {  	[dreg:$0x2] =	wrdreg s25  }
0x27: {  	[dreg:$0x3] =	wrdreg s2  }
0x28: {  	[dreg:$0x4] =	wrdreg $0x9  }
0x29: {  	_ =	task.clear_ibuf [dreg:s7], $0x5FFFF;
	_ =	strace $0x90000046  }
0x2a: {  	s29 =	simm.s32 $0x9;
	_ =	strace $0x80000048  }
0x2b: {  	_ =	swait.ge [sflag:s29], $0x1  }
0x2c: {  	[sflag:s29] =	ssyncadd.s32 $0xFFFFFFFF  }
0x2d: {  	_ =	strace $0x90000048  }
0x2e: {  	_ =	sfence  }
0x2f: {  	s30 =	sld [smem:$0x0];
	_ =	sdelay $0x2  }
0x30: {  	s31 =	sshll.u32 s1, $0xD;
	s1 =	sshrl.u32 s1, $0x2  }
0x31: {  	s3 =	sand.u32 $0x4000, s31;
	s1 =	sadd.s32 s1, s30  }
0x32: {  	s0 =	sor.u32 s3, s0;
	s1 =	sshll.u32 s1, $0x11  }
0x33: {  	s0 =	sor.u32 s1, s0  }
0x34: {  	s0 =	sadd.s32 $0x8F2B, s0  }
0x35: {  	[sflag:s0] =	ssyncadd.remote.s32 $0x1  }
0x36: {  	_ =	sfence.sel $0xFFFF  }
0x37: {  	[dreg:$0x0] =	wrdreg $0xFFFFFFFF;
	(pc) =	sbr.abs _section_cstart, $3  }
0x38: {  	[dreg:$0x1] =	wrdreg $0xFFFFFFFF  }
0x39: {  	_ =	task.clear_ibuf [dreg:s7], $0x2FFFF;
	_ =	strace $0x9FFFFFFF  }
0x3a: {  	(tm) =	ssettm $0x7FFFFFFF  }
0x3b: {  	_ =	shalt  }
tec
execute0_lowered:
.L_overlay_start_1:
0x0: {  	(tag) =	ssettag $0x1  }
0x1: {  	s3 =	stileid.u32;
	s0 =	srdreg.scid  }
0x2: {  	s1 =	sshll.u32 s3, $0x5;
	s0 =	sshll.u32 s0, $0x9  }
0x3: {  	s0 =	sor.u32 s1, s0  }
0x4: {  	s1 =	sand.u32 $0x300, s0  }
0x5: {  	s2 =	rddreg [dreg:$0x0];
	_ =	strace $0x80000047;
	s0 =	ssub.s32 $0x400, s1  }
0x6: {  	s30 =	simm.s32 $0x2;
	s18 =	simm.s32 $0x0;
	s4 =	sand.u32 $0x300, s0  }
0x7: {  	s3 =	sand.u32 $0x7, s3;
	p0 =	sne.s32 s4, $0x0;
	s4 =	simm.s32 $0x1  }
0x8: {  	s5 =	ssub.s32 $0x4A, s3;
	s0 =	sshrl.u32 s0, $0xA;
	s4 =	simm.s32 @!p0 $0x0  }
0x9: {  	s9 =	simm.s32 $0x800;
	s5 =	sshrl.u32 s5, $0x3;
	s0 =	sadd.s32 s4, s0  }
0xa: {  	s10 =	simm.s32 $0x16000;
	s11 =	simm.s32 $0x0;
	s0 =	smul.u32 s0, s5  }
.Ltmp0:
0xb: {  	s17 =	simm.s32 $0x0;
	s19 =	simm.s32 $0x0;
	(pc) =	sbr.rel .LBB1_1-.Ltmp0, $4  }
0xc: {  	s12 =	simm.s32 $0x0;
	s13 =	simm.s32 $0x0;
	s15 =	simm.s32 $0x0  }
0xd: {  	s16 =	simm.s32 $0x0;
	s5 =	simm.s32 $0x1;
	s6 =	smul.u32 $0xB, s0  }
0xe: {  	s14 =	smov.u32 s3;
	s31 =	sadd.s32 s1, s2;
	[sflag:s5] =	ssyncpa.u1 $0x0  }
0xf: {  	s7 =	sadd.s32 $0x4B2400, s31;
	[sflag:s30] =	ssyncpa.u1 $0x0;
	s8 =	sadd.s32 $0x1, s6  }
.LBB1_9:
0x10: {  	s0 =	sshll.u32 s13, $0xA;
	s2 =	sshll.u32 s19, $0x3  }
0x11: {  	p0 =	sgt.s32 s13, $0x50;
	s4 =	smov.u32 s13;
	s0 =	sand.u32 $0xFFFFE000, s0  }
0x12: {  	s4 =	simm.s32 @!p0 $0x50;
	s0 =	sor.u32 s0, s2  }
0x13: {  	s26 =	smul.u32 $0x13400, s12;
	s23 =	sadd.s32 s20, s4;
	s0 =	sshrl.u32 s0, $0xA  }
0x14: {  	s25 =	ssub.s32 $0x58, s23;
	s24 =	smulhi.u32 $0x2E8BA2F, s0  }
0x15: {  	s28 =	sshll.u32 s13, $0x4;
	s2 =	sadd.s32 $0xFFFFFFB0, s23;
	s19 =	smul.u32 $0x700, s25  }
0x16: {  	s30 =	rddreg [dreg:$0x1];
	p0 =	sgt.s32 s2, $0x7;
	s4 =	smul.u32 $0x58, s24  }
0x17: {  	s29 =	sshll.u32 s16, $0xE;
	s2 =	sadd.s32 s30, s26;
	s19 =	simm.s32 @p0 $0x0  }
0x18: {  	s27 =	smul.u32 s21, s19;
	s19 =	sand.u32 $0x70, s28;
	s0 =	ssub.s32 s0, s4  }
0x19: {  	s20 =	sand.u32 $0x4000, s29;
	s2 =	sadd.s32 s19, s2;
	s0 =	sshll.u32 s0, $0x7  }
0x1a: {  	s31 =	sor.u32 $0x8000, s20;
	s4 =	sand.u32 $0x3FFFFF00, s27;
	s0 =	sadd.s32 s0, s2  }
0x1b: {  	[hbm4b:s0+s9] =	stream.strided.scatter [tilespmem:s31], [sflag:$0x2], s4, s10, s9, $0x38;
	[tilespmem:$0x10000] =	vst v63  }
.LBB1_10:
0x1c: {  	p0 =	slt.u32 s16, $0x2  }
0x1d: {  	p1 =	sgt.s32 @!p0 s18, $0x42  }
0x1e: {  	s0 =	smov.u32 s18;
	s4 =	smov.u32 s17;
	p1 =	por !p1, p0  }
0x1f: {  	s2 =	sshra.s32 @!p0 s18, $0x1F;
	s0 =	simm.s32 @p1 $0x42;
	p1 =	sgt.s32 @!p0 s17, $0x50  }
0x20: {  	s2 =	sand.u32 @!p0 s2, s18;
	s18 =	sshra.s32 @!p0 s17, $0x1F;
	p1 =	por !p1, p0  }
0x21: {  	s0 =	ssub.s32 @!p0 s0, s2;
	s2 =	sand.u32 @!p0 s18, s17;
	s4 =	simm.s32 @p1 $0x50  }
0x22: {  	s17 =	sadd.s32 @!p0 $0xFFFFFFBE, s0;
	s2 =	ssub.s32 @!p0 s4, s2  }
0x23: {  	s0 =	ssub.s32 @!p0 $0x43, s0;
	p1 =	sgt.s32 @!p0 s17, $0x0;
	s2 =	sadd.s32 @!p0 $0xFFFFFFB0, s2  }
0x24: {  	s0 =	smul.u32 @!p0 $0x7, s0;
	p2 =	sgt.s32 @!p0 s2, $0x7;
	s2 =	sshll.u32 @!p0 s2, $0x8  }
0x25: {  	p1 =	por !p1, p0;
	s2 =	ssub.s32 @!p0 $0x800, s2;
	p2 =	por !p2, p0  }
0x26: {  	s0 =	simm.s32 @!p1 $0x0;
	s2 =	simm.s32 @!p2 $0x0  }
0x27: {  	s0 =	smul.u32 @!p0 s0, s2;
	s2 =	sadd.s32 $0x8, s14  }
0x28: {  	s20 =	smov.u32 s15;
	s17 =	sadd.s32 $0x8, s15;
	p1 =	sgt.s32 s2, $0x42  }
0x29: {  	s20 =	smov.u32 @p1 s17  }
0x2a: {  	s2 =	smov.u32 @p1 s3;
	p1 =	sgt.s32 s20, $0x51  }
0x2b: {  	s11 =	sadd.s32 $0x4000, s11;
	s20 =	simm.s32 @p1 $0x0;
	p1 =	sne.s32 s16, s8  }
.Ltmp1:
0x2c: {  	s19 =	smov.u32 s1;
	s18 =	smov.u32 s12;
	(pc) =	sbr.rel @!p1 .LBB1_11-.Ltmp1, $4  }
0x2d: {  	s12 =	smov.u32 s14;
	s4 =	simm.s32 @!p0 $0x2;
	s0 =	sand.u32 @!p0 $0x3FFFFF00, s0  }
0x2e: {  	s17 =	smov.u32 s13;
	s13 =	smov.u32 s15;
	_ =	swait.ge @!p0 [sflag:s4], s0  }
0x2f: {  	s0 =	ssub.s32 @!p0 $0x0, s0;
	s14 =	smov.u32 s2;
	[sflag:s4] =	ssyncset.done @!p0 $0x0  }
0x30: {  	s16 =	sadd.s32 $0x1, s16;
	[sflag:s4] =	ssyncadd.s32 @!p0 s0;
	s15 =	smov.u32 s20  }
.LBB1_1:
0x31: {  	p0 =	sge.u32 s16, s6  }
0x32: {  	p1 =	sgt.s32 @!p0 s15, $0x4A  }
0x33: {  	s0 =	smov.u32 s15;
	s4 =	smov.u32 s14;
	p1 =	por !p1, p0  }
0x34: {  	s2 =	sshra.s32 @!p0 s15, $0x1F;
	s0 =	simm.s32 @p1 $0x4A;
	p1 =	sgt.s32 @!p0 s14, $0x42  }
0x35: {  	s20 =	sshra.s32 @!p0 s14, $0x1F;
	s2 =	sand.u32 @!p0 s2, s15;
	p1 =	por !p1, p0  }
0x36: {  	s0 =	ssub.s32 @!p0 s0, s2;
	s2 =	sand.u32 @!p0 s20, s14;
	s4 =	simm.s32 @p1 $0x42  }
0x37: {  	s0 =	sadd.s32 @!p0 $0xFFFFFFB6, s0;
	s2 =	ssub.s32 @!p0 s4, s2  }
0x38: {  	p1 =	sgt.s32 @!p0 s0, $0x7;
	s4 =	sadd.s32 @!p0 $0xFFFFFFBE, s2  }
0x39: {  	s0 =	sshll.u32 @!p0 s0, $0xB;
	s2 =	ssub.s32 @!p0 $0x43, s2;
	p2 =	sgt.s32 @!p0 s4, $0x0  }
0x3a: {  	s0 =	ssub.s32 @!p0 $0x4000, s0;
	p1 =	por !p1, p0;
	p2 =	por !p2, p0  }
0x3b: {  	s0 =	simm.s32 @!p1 $0x0;
	s2 =	simm.s32 @!p2 $0x0  }
0x3c: {  	s4 =	sxor.u32 @!p0 $0xFFFFFFFF, s16;
	s0 =	smul.u32 @!p0 s2, s0  }
0x3d: {  	s2 =	sshll.u32 @!p0 s4, $0xE;
	s4 =	smul.u32 @!p0 $0x10C00, s15  }
0x3e: {  	s31 =	sadd.s32 $0xFFFFFFFF, s16;
	s21 =	simm.s32 @!p0 $0x86000  }
0x3f: {  	s20 =	sshll.u32 @!p0 s14, $0xA;
	s2 =	sand.u32 @!p0 $0x4000, s2;
	s4 =	sadd.s32 @!p0 s4, s7  }
0x40: {  	s0 =	sand.u32 @!p0 $0x3FFFF800, s0;
	s4 =	sadd.s32 @!p0 s20, s4;
	s20 =	simm.s32 @!p0 $0x800  }
0x41: {  	[tilespmem:s2], [sflag:$0x1] =	stream.strided.gather @!p0 [hbm4b:s4+s20], s0, s21, s20, $0x38;
	[tilespmem:$0x10000] =	vst v63  }
0x42: {  	p0 =	sge.u32 s31, s6  }
.Ltmp2:
0x43: {  	_ = 	snop;
	(pc) =	sbr.rel @p0 .LBB1_10-.Ltmp2, $1  }
0x44: {  	_ =	sdelay $0x3  }
0x45: {  	s0 =	ssub.s32 $0x0, s13;
	s2 =	sshra.s32 s13, $0x1F  }
0x46: {  	p0 =	sgt.s32 s13, $0x4A;
	s20 =	sand.u32 s0, s2;
	s0 =	smov.u32 s13  }
0x47: {  	s4 =	sshra.s32 s12, $0x1F;
	s0 =	simm.s32 @!p0 $0x4A  }
0x48: {  	s2 =	smov.u32 s12;
	p0 =	sgt.s32 s12, $0x42;
	s0 =	sadd.s32 s20, s0  }
0x49: {  	s4 =	sand.u32 s4, s12;
	s2 =	simm.s32 @!p0 $0x42;
	s0 =	sadd.s32 $0xFFFFFFB6, s0  }
0x4a: {  	s2 =	ssub.s32 s2, s4;
	p0 =	sgt.s32 s0, $0x7  }
0x4b: {  	s4 =	sadd.s32 $0xFFFFFFBE, s2;
	s21 =	ssub.s32 $0x43, s2;
	s0 =	sshll.u32 s0, $0xB  }
0x4c: {  	s2 =	sadd.s32 $0x8, s13;
	p1 =	sgt.s32 s4, $0x0;
	s0 =	ssub.s32 $0x4000, s0  }
0x4d: {  	s4 =	sadd.s32 $0x1, s12;
	s0 =	simm.s32 @p0 $0x0;
	p0 =	slt.s32 s2, $0x52  }
0x4e: {  	s2 =	simm.s32 @!p0 $0x52;
	p0 =	slt.s32 s4, $0x43  }
0x4f: {  	s22 =	ssub.s32 s2, s13;
	s4 =	simm.s32 @!p0 $0x43  }
0x50: {  	s23 =	ssub.s32 s4, s12;
	p0 =	slt.s32 s22, $0x1  }
0x51: {  	s21 =	simm.s32 @p1 $0x0;
	p1 =	slt.s32 @!p0 s23, $0x1  }
0x52: {  	s0 =	smul.u32 s21, s0;
	p0 =	por p0, p1  }
.Ltmp3:
0x53: {  	_ = 	snop;
	(pc) =	sbr.rel @p0 .LBB1_9-.Ltmp3, $4  }
0x54: {  	s0 =	sand.u32 $0x3FFFF800, s0  }
0x55: {  	_ =	swait.ge [sflag:s5], s0  }
0x56: {  	s0 =	ssub.s32 $0x0, s0;
	[sflag:s5] =	ssyncset.done $0x0  }
0x57: {  	[sflag:s5] =	ssyncadd.s32 s0  }
0x58: {  	s0 =	sshll.u32 s11, $0x2  }
0x59: {  	s0 =	sand.u32 $0x10000, s0  }
0x5a: {  	s26 =	simm.s32 $0x0;
	s0 =	sshrl.u32 s0, $0x2  }
0x5b: {  	s27 =	simm.s32 $0x0;
	s24 =	sor.u32 $0x400, s0;
	s25 =	sadd.s32 $0x8400, s0  }
.LBB1_4:
0x5c: {  	s0 =	sand.u32 $0x380, s26  }
0x5d: {  	s29 =	smov.u32 s24;
	s30 =	simm.s32 $0x0;
	s28 =	sadd.s32 s0, s25  }
.LBB1_5:
0x5e: {  	v0 =	vmov s28;
	v1 =	vld [tilespmem:s29+$0x70]  }
0x5f: {  	v2 =	vld [tilespmem:s29+$0xFFFFFC00]  }
0x60: {  	v3 =	vld [tilespmem:s29+$0xFFFFFC10]  }
0x61: {  	v4 =	vld [tilespmem:s29+$0xFFFFFC20]  }
0x62: {  	s31 =	simm.s32 $0x0;
	v5 =	vld [tilespmem:s29+$0xFFFFFC30]  }
0x63: {  	v6 =	vld [tilespmem:s29+$0xFFFFFC40];
	[tilespmem:v0+s31+$0x70 ss:$0x1] =	vst.idx.msk $0xffff, v1  }
0x64: {  	v7 =	vld [tilespmem:s29+$0x20];
	[tilespmem:v0+s31+$0xFFFFFC00 ss:$0x1] =	vst.idx.msk $0xffff, v2  }
0x65: {  	v1 =	vld [tilespmem:s29+$0xFFFFFC50];
	[tilespmem:v0+s31+$0xFFFFFC10 ss:$0x1] =	vst.idx.msk $0xffff, v3  }
0x66: {  	[tilespmem:v0+s31+$0xFFFFFC20 ss:$0x1] =	vst.idx.msk $0xffff, v4;
	v4 =	vld [tilespmem:s29+$0xFFFFFC70]  }
0x67: {  	[tilespmem:v0+s31+$0xFFFFFC30 ss:$0x1] =	vst.idx.msk $0xffff, v5;
	v5 =	vld [tilespmem:s29+$0x0]  }
0x68: {  	v2 =	vld [tilespmem:s29+$0xFFFFFC60];
	[tilespmem:v0+s31+$0xFFFFFC40 ss:$0x1] =	vst.idx.msk $0xffff, v6  }
0x69: {  	v6 =	vld [tilespmem:s29+$0x10];
	[tilespmem:v0+s31+$0x20 ss:$0x1] =	vst.idx.msk $0xffff, v7  }
0x6a: {  	v3 =	vld [tilespmem:s29+$0x30];
	[tilespmem:v0+s31+$0xFFFFFC50 ss:$0x1] =	vst.idx.msk $0xffff, v1  }
0x6b: {  	[tilespmem:v0+s31+$0xFFFFFC70 ss:$0x1] =	vst.idx.msk $0xffff, v4;
	v4 =	vld [tilespmem:s29+$0x40]  }
0x6c: {  	[tilespmem:v0+s31+$0x0 ss:$0x1] =	vst.idx.msk $0xffff, v5;
	v5 =	vld [tilespmem:s29+$0x50]  }
0x6d: {  	s2 =	sadd.s32 $0x80, s29;
	[tilespmem:v0+s31+$0xFFFFFC60 ss:$0x1] =	vst.idx.msk $0xffff, v2;
	v2 =	vld [tilespmem:s29+$0x60]  }
0x6e: {  	s0 =	simm.s32 $0x2000;
	s4 =	simm.s32 $0x4000;
	[tilespmem:v0+s31+$0x10 ss:$0x1] =	vst.idx.msk $0xffff, v6;
	v1 =	vld [tilespmem:s2+$0x70]  }
.LBB1_6:
0x6f: {  	p0 =	sne.s32 s4, $0xC000;
	v6 =	vld [tilespmem:s2+$0xFFFFFC00];
	[tilespmem:v0+s31+$0x30 ss:$0x1] =	vst.idx.msk $0xffff, v3  }
0x70: {  	v3 =	vld [tilespmem:s2+$0xFFFFFC10];
	[tilespmem:v0+s31+$0x40 ss:$0x1] =	vst.idx.msk $0xffff, v4  }
0x71: {  	v4 =	vld [tilespmem:s2+$0xFFFFFC20];
	[tilespmem:v0+s31+$0x50 ss:$0x1] =	vst.idx.msk $0xffff, v5  }
0x72: {  	v5 =	vld [tilespmem:s2+$0xFFFFFC30];
	[tilespmem:v0+s31+$0x60 ss:$0x1] =	vst.idx.msk $0xffff, v2;
	s31 =	sshra.s32 s0, $0x2;
	s0 =	smov.u32 s4  }
0x73: {  	v2 =	vld [tilespmem:s2+$0xFFFFFC40];
	[tilespmem:v0+s31+$0x70 ss:$0x1] =	vst.idx.msk $0xffff, v1  }
0x74: {  	[tilespmem:v0+s31+$0xFFFFFC00 ss:$0x1] =	vst.idx.msk $0xffff, v6;
	v1 =	vld [tilespmem:s2+$0xFFFFFC50]  }
0x75: {  	[tilespmem:v0+s31+$0xFFFFFC10 ss:$0x1] =	vst.idx.msk $0xffff, v3;
	v3 =	vld [tilespmem:s2+$0xFFFFFC60]  }
0x76: {  	[tilespmem:v0+s31+$0xFFFFFC20 ss:$0x1] =	vst.idx.msk $0xffff, v4;
	v4 =	vld [tilespmem:s2+$0xFFFFFC70]  }
0x77: {  	[tilespmem:v0+s31+$0xFFFFFC30 ss:$0x1] =	vst.idx.msk $0xffff, v5;
	v5 =	vld [tilespmem:s2+$0x0]  }
0x78: {  	[tilespmem:v0+s31+$0xFFFFFC40 ss:$0x1] =	vst.idx.msk $0xffff, v2;
	v2 =	vld [tilespmem:s2+$0x10]  }
0x79: {  	[tilespmem:v0+s31+$0xFFFFFC50 ss:$0x1] =	vst.idx.msk $0xffff, v1;
	v6 =	vld [tilespmem:s2+$0x20]  }
.Ltmp4:
0x7a: {  	[tilespmem:v0+s31+$0xFFFFFC60 ss:$0x1] =	vst.idx.msk $0xffff, v3;
	v3 =	vld [tilespmem:s2+$0x30];
	(pc) =	sbr.rel @p0 .LBB1_6-.Ltmp4, $4  }
0x7b: {  	[tilespmem:v0+s31+$0xFFFFFC70 ss:$0x1] =	vst.idx.msk $0xffff, v4;
	v4 =	vld [tilespmem:s2+$0x40]  }
0x7c: {  	[tilespmem:v0+s31+$0x0 ss:$0x1] =	vst.idx.msk $0xffff, v5;
	v5 =	vld [tilespmem:s2+$0x50]  }
0x7d: {  	[tilespmem:v0+s31+$0x10 ss:$0x1] =	vst.idx.msk $0xffff, v2;
	v2 =	vld [tilespmem:s2+$0x60];
	s2 =	sadd.s32 $0x80, s2  }
0x7e: {  	s4 =	sadd.s32 $0x2000, s4;
	v1 =	vld [tilespmem:s2+$0x70];
	[tilespmem:v0+s31+$0x20 ss:$0x1] =	vst.idx.msk $0xffff, v6  }
0x7f: {  	_ =	sdelay $0x3  }
0x80: {  	v6 =	vld [tilespmem:s2+$0xFFFFFC00];
	[tilespmem:v0+s31+$0x30 ss:$0x1] =	vst.idx.msk $0xffff, v3  }
0x81: {  	v50 =	vld [tilespmem:s2+$0xFFFFFC10];
	[tilespmem:v0+s31+$0x40 ss:$0x1] =	vst.idx.msk $0xffff, v4  }
0x82: {  	v51 =	vld [tilespmem:s2+$0xFFFFFC20];
	[tilespmem:v0+s31+$0x50 ss:$0x1] =	vst.idx.msk $0xffff, v5  }
0x83: {  	s0 =	sshra.s32 s0, $0x2;
	v52 =	vld [tilespmem:s2+$0xFFFFFC30];
	[tilespmem:v0+s31+$0x60 ss:$0x1] =	vst.idx.msk $0xffff, v2  }
0x84: {  	v53 =	vld [tilespmem:s2+$0xFFFFFC40];
	[tilespmem:v0+s0+$0x70 ss:$0x1] =	vst.idx.msk $0xffff, v1  }
0x85: {  	v54 =	vld [tilespmem:s2+$0xFFFFFC50];
	[tilespmem:v0+s0+$0xFFFFFC00 ss:$0x1] =	vst.idx.msk $0xffff, v6  }
0x86: {  	v55 =	vld [tilespmem:s2+$0xFFFFFC60];
	[tilespmem:v0+s0+$0xFFFFFC10 ss:$0x1] =	vst.idx.msk $0xffff, v50  }
0x87: {  	v56 =	vld [tilespmem:s2+$0xFFFFFC70];
	[tilespmem:v0+s0+$0xFFFFFC20 ss:$0x1] =	vst.idx.msk $0xffff, v51  }
0x88: {  	v57 =	vld [tilespmem:s2+$0x0];
	[tilespmem:v0+s0+$0xFFFFFC30 ss:$0x1] =	vst.idx.msk $0xffff, v52  }
0x89: {  	v58 =	vld [tilespmem:s2+$0x10];
	[tilespmem:v0+s0+$0xFFFFFC40 ss:$0x1] =	vst.idx.msk $0xffff, v53  }
0x8a: {  	v59 =	vld [tilespmem:s2+$0x20];
	[tilespmem:v0+s0+$0xFFFFFC50 ss:$0x1] =	vst.idx.msk $0xffff, v54  }
0x8b: {  	v60 =	vld [tilespmem:s2+$0x30];
	[tilespmem:v0+s0+$0xFFFFFC60 ss:$0x1] =	vst.idx.msk $0xffff, v55  }
0x8c: {  	v61 =	vld [tilespmem:s2+$0x40];
	[tilespmem:v0+s0+$0xFFFFFC70 ss:$0x1] =	vst.idx.msk $0xffff, v56  }
0x8d: {  	v62 =	vld [tilespmem:s2+$0x50];
	s30 =	sadd.s32 $0x1, s30;
	[tilespmem:v0+s0+$0x0 ss:$0x1] =	vst.idx.msk $0xffff, v57  }
0x8e: {  	v63 =	vld [tilespmem:s2+$0x60];
	p0 =	sne.s32 s30, s23;
	[tilespmem:v0+s0+$0x10 ss:$0x1] =	vst.idx.msk $0xffff, v58  }
.Ltmp5:
0x8f: {  	[tilespmem:v0+s0+$0x20 ss:$0x1] =	vst.idx.msk $0xffff, v59;
	(pc) =	sbr.rel @p0 .LBB1_5-.Ltmp5, $4  }
0x90: {  	[tilespmem:v0+s0+$0x30 ss:$0x1] =	vst.idx.msk $0xffff, v60  }
0x91: {  	[tilespmem:v0+s0+$0x40 ss:$0x1] =	vst.idx.msk $0xffff, v61  }
0x92: {  	[tilespmem:v0+s0+$0x50 ss:$0x1] =	vst.idx.msk $0xffff, v62  }
0x93: {  	s29 =	sadd.s32 $0x800, s29;
	s28 =	sadd.s32 $0x4000, s28;
	[tilespmem:v0+s0+$0x60 ss:$0x1] =	vst.idx.msk $0xffff, v63  }
0x94: {  	s27 =	sadd.s32 $0x1, s27  }
0x95: {  	p0 =	sne.s32 s27, s22  }
.Ltmp6:
0x96: {  	_ = 	snop;
	(pc) =	sbr.rel @p0 .LBB1_4-.Ltmp6, $4  }
.Ltmp7:
0x97: {  	_ = 	snop;
	(pc) =	sbr.rel @!p0 .LBB1_9-.Ltmp7, $4  }
0x98: {  	_ = 	snop  }
0x99: {  	_ = 	snop  }
0x9a: {  	s24 =	sadd.s32 $0x800, s24;
	s26 =	sadd.s32 $0x80, s26  }
0x9b: {  	_ = 	snop  }
.LBB1_11:
0x9c: {  	_ =	sfence.sel $0x180000  }
0x9d: {  	s0 =	simm.s32 $0x1;
	[bflag:$0x0] =	sbarrier.arrive $0xFFFF  }
0x9e: {  	s30 =	simm.s32 $0x2;
	[sflag:s0] =	ssyncpa.u1 $0x1  }
0x9f: {  	[sflag:s30] =	ssyncpa.u1 $0x1  }
0xa0: {  	_ =	strace $0x90000047  }
0xa1: {  	s31 =	stileid.u32;
	[bflag:$0x2] =	sbarrier.arrive $0xFFFF  }
0xa2: {  	p0 =	sne.s32 s31, $0x0;
	s0 =	rddreg [dreg:$0x2]  }
0xa3: {  	s0 =	sadd.s32 @!p0 $0x100000, s0  }
0xa4: {  	[sflag:s0] =	ssyncadd.tile.s32 @!p0 $0x1;
	_ =	shalt  }
.Lfunc_end1:
_tile_overlayer_lowered:
.L_overlay_start_2:
0xa5: {  	(tag) =	ssettag $0x2  }
0xa6: {  	s0 =	rddreg [dreg:$0x0];
	s2 =	stileid.u32  }
0xa7: {  	s1 =	rddreg [dreg:$0x1];
	p0 =	sne.s32 s2, $0x0  }
0xa8: {  	s3 =	rddreg [dreg:$0x2];
	[bflag:$0x3] =	sbarrier.arrive $0xFFFF;
	s2 =	simm.s32 @!p0 $0x1C01  }
0xa9: {  	[timem:s3], [sflag:s2] =	dma.local @!p0 [hbm:s0], s1  }
0xaa: {  	s0 =	simm.s32 @!p0 $0x1  }
0xab: {  	_ =	swait.ge @!p0 [sflag:s0], s1  }
0xac: {  	s1 =	ssub.s32 @!p0 $0x0, s1;
	[sflag:s0] =	ssyncset.done @!p0 $0x0  }
0xad: {  	[sflag:s0] =	ssyncadd.s32 @!p0 s1  }
0xae: {  	[bflag:$0x3] =	sbarrier.arrive $0xFFFF  }
0xaf: {  	_ =	shalt  }

</sc_bundles>
